<compile_context>
chip_gen: v7x
topology: tpu7x:2x2x1
jax: 0.10.2.dev20260603
libtpu: 0.0.44.dev20260713+nightly
codegen_flags: <defaults>
</compile_context>

<pallas_src>
import functools

import jax
import jax.numpy as jnp
from jax import lax
from jax.experimental import pallas as pl
from jax.experimental.pallas import tpu as pltpu
from jax.experimental.pallas import tpu_sc as plsc

BETA_P1 = 1.25

_NC, _NS, _L = 2, 16, 16


def _argmin_body(x_ref, cb_ref, idx_ref, loss_ref):
    b = pl.program_id(0)
    cb = cb_ref[...]
    C = cb_ref.shape[0]
    G = x_ref.shape[0]

    cb_sq = jnp.sum(cb * cb, axis=1, keepdims=True)
    iota_c = jax.lax.broadcasted_iota(jnp.int32, (C, 1), 0).astype(jnp.float32)

    @pl.when(b == 0)
    def _():
        loss_ref[0, 0] = 0.0

    for g in range(G):
        xb = x_ref[g]
        x_sq = jnp.sum(xb * xb, axis=0, keepdims=True)
        mm = jax.lax.dot_general(
            cb, xb, (((1,), (0,)), ((), ())),
            preferred_element_type=jnp.float32)
        dist = (0.5 * x_sq + 0.5 * cb_sq) - mm

        minv = jnp.min(dist, axis=0, keepdims=True)
        masked = jnp.where(dist == minv, iota_c, jnp.float32(C))
        idx = jnp.min(masked, axis=0, keepdims=True)
        idx_ref[g] = idx.astype(jnp.int32)
        loss_ref[0, 0] += jnp.sum(minv)


def _tc_argmin(x, codebook):
    B, D, HW = x.shape
    C = codebook.shape[0]
    G = 2
    idx, s = pl.pallas_call(
        _argmin_body,
        grid=(B // G,),
        in_specs=[
            pl.BlockSpec((G, D, HW), lambda b: (b, 0, 0)),
            pl.BlockSpec((C, D), lambda b: (0, 0)),
        ],
        out_specs=[
            pl.BlockSpec((G, 1, HW), lambda b: (b, 0, 0)),
            pl.BlockSpec(memory_space=pltpu.SMEM),
        ],
        out_shape=[
            jax.ShapeDtypeStruct((B, 1, HW), jnp.int32),
            jax.ShapeDtypeStruct((1, 1), jnp.float32),
        ],
    )(x, codebook)
    return idx, s


def _sc_lookup(cbt, idx_flat, B, D, HW):
    NW = _NC * _NS
    n_pos = B * HW
    p_per_w = n_pos // NW
    C = cbt.shape[1]
    mesh = plsc.VectorSubcoreMesh(core_axis_name="c", subcore_axis_name="s")

    @functools.partial(
        pl.kernel,
        mesh=mesh,
        compiler_params=pltpu.CompilerParams(needs_layout_passes=False),
        out_type=jax.ShapeDtypeStruct((B, D, HW), jnp.float32),
        scratch_types=[
            pltpu.VMEM((p_per_w,), jnp.int32),
            pltpu.VMEM((D, C), jnp.float32),
            pltpu.VMEM((D, p_per_w), jnp.float32),
        ],
    )
    def k(cbt_hbm, idx_hbm, out_hbm, idx_v, cbt_v, out_v):
        wid = lax.axis_index("s") * _NC + lax.axis_index("c")
        base = wid * p_per_w
        b_img = base // HW
        col0 = base - b_img * HW
        pltpu.sync_copy(idx_hbm.at[pl.ds(base, p_per_w)], idx_v)
        pltpu.sync_copy(cbt_hbm, cbt_v)

        @pl.loop(0, p_per_w, step=_L)
        def _(j):
            idx16 = idx_v[pl.ds(j, _L)]
            @pl.loop(0, D)
            def _(d):
                d16 = jnp.zeros((_L,), jnp.int32) + d
                row = plsc.load_gather(cbt_v, [d16, idx16])
                out_v[d, pl.ds(j, _L)] = row

        pltpu.sync_copy(out_v, out_hbm.at[b_img, :, pl.ds(col0, p_per_w)])

    return k(cbt, idx_flat)


def kernel(latents, codebook):
    B, D, H, W = latents.shape
    HW = H * W
    x = latents.reshape(B, D, HW)
    cbt = codebook.T

    idx, s = _tc_argmin(x, codebook)
    q = _sc_lookup(cbt, idx.reshape(B * HW), B, D, HW)

    vq_loss = (2.0 * BETA_P1 / (B * HW * D)) * s[0, 0]
    return (q.reshape(B, D, H, W), vq_loss)

# --- scband reference (transcript-rebuilt; emitter-appended) ---
"""Pipeline reference for scband-vector-quantizer-17162689315041 (READ-ONLY COPY).

The authoritative reference and input builder live on the scoring server;
editing this copy changes nothing except your own understanding.
"""

import jax, jax.numpy as jnp
import numpy as np

BETA = 0.25

def setup_inputs(seed: int = 0) -> dict:
    key = jax.random.key(seed)
    k1, k2 = jax.random.split(key)
    latents = jax.random.normal(k1, (16, 64, 32, 32), dtype=jnp.float32)
    codebook = jax.random.uniform(k2, (1024, 64), dtype=jnp.float32, minval=-1.0/1024.0, maxval=1.0/1024.0)
    return {"latents": latents, "codebook": codebook}

def reference(latents, codebook):
    B, D, H, W = latents.shape
    lat = jnp.transpose(latents, (0, 2, 3, 1))
    flat = lat.reshape(-1, D)
    dist = (jnp.sum(flat ** 2, axis=1, keepdims=True)
            + jnp.sum(codebook ** 2, axis=1)
            - 2.0 * jnp.matmul(flat, codebook.T))
    encoding_inds = jnp.argmin(dist, axis=1)
    quantized = jnp.take(codebook, encoding_inds, axis=0).reshape(B, H, W, D)
    commitment_loss = jnp.mean((jax.lax.stop_gradient(quantized) - lat) ** 2)
    embedding_loss = jnp.mean((quantized - jax.lax.stop_gradient(lat)) ** 2)
    vq_loss = embedding_loss + BETA * commitment_loss
    quantized_ste = lat + jax.lax.stop_gradient(quantized - lat)
    quantized_out = jnp.transpose(quantized_ste, (0, 3, 1, 2))
    return (quantized_out, vq_loss)

if __name__ == "__main__":
    import jax
    _d = setup_inputs()
    print(jax.jit(kernel)(*tuple(_d.values())))

</pallas_src>

<mosaic_0001>
#map = affine_map<(d0, d1) -> (0, 0)>
#map1 = affine_map<(d0, d1) -> (0)>
#map2 = affine_map<(d0, d1) -> (0, 0, 0)>
module attributes {stable_mosaic.version = 14 : i64} {
  func.func @k(%arg0: i32, %arg1: i32, %arg2: memref<64x1024xf32, #tpu.memory_space<hbm>>, %arg3: memref<16384xi32, #tpu.memory_space<hbm>>, %arg4: memref<16x64x1024xf32, #tpu.memory_space<hbm>>, %arg5: memref<512xi32, #tpu.memory_space<vmem>>, %arg6: memref<64x1024xf32, #tpu.memory_space<vmem>>, %arg7: memref<64x512xf32, #tpu.memory_space<vmem>>) attributes {dimension_semantics = [#tpu.dimension_semantics<core_parallel>, #tpu.dimension_semantics<subcore_parallel>], iteration_bounds = array<i64: 2, 16>, scalar_prefetch = 0 : i64, scratch_operands = 3 : i64, tpu.core_type = #tpu.core_type<sc_vector_subcore>, window_params = [{transform_indices = #map}, {transform_indices = #map1}, {transform_indices = #map2}]} {
    %mul3A = arith.constant 2 : i32
    %mul3A_0 = arith.muli %arg1, %mul3A : i32
    %add3A = arith.addi %mul3A_0, %arg0 : i32
    %mul3A_1 = arith.constant 512 : i32
    %mul3A_2 = arith.muli %add3A, %mul3A_1 : i32
    %jit3A = arith.constant 1024 : i32
    %div3A = arith.divsi %mul3A_2, %jit3A : i32
    %sign3A = arith.constant 0 : i32
    %sign3A_3 = arith.cmpi sgt, %mul3A_2, %sign3A : i32
    %sign3A_4 = arith.extui %sign3A_3 : i1 to i32
    %sign3A_5 = arith.constant 0 : i32
    %sign3A_6 = arith.cmpi slt, %mul3A_2, %sign3A_5 : i32
    %sign3A_7 = arith.extui %sign3A_6 : i1 to i32
    %sign3A_8 = arith.subi %sign3A_4, %sign3A_7 : i32
    %sign3A_9 = arith.constant 0 : i32
    %sign3A_10 = arith.cmpi sgt, %jit3A, %sign3A_9 : i32
    %sign3A_11 = arith.extui %sign3A_10 : i1 to i32
    %sign3A_12 = arith.constant 0 : i32
    %sign3A_13 = arith.cmpi slt, %jit3A, %sign3A_12 : i32
    %sign3A_14 = arith.extui %sign3A_13 : i1 to i32
    %sign3A_15 = arith.subi %sign3A_11, %sign3A_14 : i32
    %ne3A = arith.cmpi ne, %sign3A_8, %sign3A_15 : i32
    %rem3A = arith.remsi %mul3A_2, %jit3A : i32
    %ne3A_16 = arith.constant 0 : i32
    %ne3A_17 = arith.cmpi ne, %rem3A, %ne3A_16 : i32
    %and3A = arith.andi %ne3A, %ne3A_17 : i1
    %sub3A = arith.constant 1 : i32
    %sub3A_18 = arith.subi %div3A, %sub3A : i32
    %select_n3A = arith.select %and3A, %sub3A_18, %div3A : i32
    %mul3A_19 = arith.constant 1024 : i32
    %mul3A_20 = arith.muli %select_n3A, %mul3A_19 : i32
    %sub3A_21 = arith.subi %mul3A_2, %mul3A_20 : i32
    "tpu.region"() ({
      %run_scoped3A = tpu.sem_alloc : memref<!tpu.dma_semaphore, #tpu.memory_space<semaphore_mem>>
      %dma_start3A = tpu.memref_slice %arg3[%mul3A_2] : memref<16384xi32, #tpu.memory_space<hbm>> -> memref<512xi32, #tpu.memory_space<hbm>>
      %dma_start3A_26 = tpu.memref_slice %arg3[%mul3A_2] : memref<16384xi32, #tpu.memory_space<hbm>> -> memref<512xi32, #tpu.memory_space<hbm>>
      tpu.enqueue_dma source(%dma_start3A_26 : memref<512xi32, #tpu.memory_space<hbm>>) target(%arg5 : memref<512xi32, #tpu.memory_space<vmem>>) target_semaphore(%run_scoped3A : memref<!tpu.dma_semaphore, #tpu.memory_space<semaphore_mem>>)
      %dma_wait3A = tpu.memref_slice %arg3[%mul3A_2] : memref<16384xi32, #tpu.memory_space<hbm>> -> memref<512xi32, #tpu.memory_space<hbm>>
      %dma_wait3A_27 = tpu.memref_slice %arg3[%mul3A_2] : memref<16384xi32, #tpu.memory_space<hbm>> -> memref<512xi32, #tpu.memory_space<hbm>>
      tpu.wait_dma2 semaphore(%run_scoped3A : memref<!tpu.dma_semaphore, #tpu.memory_space<semaphore_mem>>) src(%dma_wait3A_27 : memref<512xi32, #tpu.memory_space<hbm>>) dst(%arg5 : memref<512xi32, #tpu.memory_space<vmem>>)
      tpu.yield
    }) : () -> ()
    "tpu.region"() ({
      %run_scoped3A = tpu.sem_alloc : memref<!tpu.dma_semaphore, #tpu.memory_space<semaphore_mem>>
      tpu.enqueue_dma source(%arg2 : memref<64x1024xf32, #tpu.memory_space<hbm>>) target(%arg6 : memref<64x1024xf32, #tpu.memory_space<vmem>>) target_semaphore(%run_scoped3A : memref<!tpu.dma_semaphore, #tpu.memory_space<semaphore_mem>>)
      tpu.wait_dma2 semaphore(%run_scoped3A : memref<!tpu.dma_semaphore, #tpu.memory_space<semaphore_mem>>) src(%arg2 : memref<64x1024xf32, #tpu.memory_space<hbm>>) dst(%arg6 : memref<64x1024xf32, #tpu.memory_space<vmem>>)
      tpu.yield
    }) : () -> ()
    %scan3A = arith.constant 0 : i32
    %scan3A_22 = arith.constant 32 : i32
    %scan3A_23 = arith.addi %scan3A, %scan3A_22 : i32
    %scan3A_24 = arith.constant 1 : i32
    scf.for %scan3A_26 = %scan3A to %scan3A_23 step %scan3A_24  : i32 {
      %mul3A_27 = arith.constant 16 : i32
      %mul3A_28 = arith.muli %scan3A_26, %mul3A_27 : i32
      %add3A_29 = arith.constant 0 : i32
      %add3A_30 = arith.addi %add3A_29, %mul3A_28 : i32
      %get3A = arith.index_cast %add3A_30 : i32 to index
      %get3A_31 = tpu.vector_load %arg5[%get3A] {strides = array<i32>} : memref<512xi32, #tpu.memory_space<vmem>>, vector<16xi32>,
      %scan3A_32 = arith.constant 0 : i32
      %scan3A_33 = arith.constant 64 : i32
      %scan3A_34 = arith.addi %scan3A_32, %scan3A_33 : i32
      %scan3A_35 = arith.constant 1 : i32
      scf.for %scan3A_37 = %scan3A_32 to %scan3A_34 step %scan3A_35  : i32 {
        %mul3A_38 = arith.constant 1 : i32
        %mul3A_39 = arith.muli %scan3A_37, %mul3A_38 : i32
        %add3A_40 = arith.constant 0 : i32
        %add3A_41 = arith.addi %add3A_40, %mul3A_39 : i32
        %broadcast_in_dim3A = arith.constant 0 : i32
        %broadcast_in_dim3A_42 = vector.broadcast %broadcast_in_dim3A : i32 to vector<16xi32>
        %add3A_43 = vector.broadcast %add3A_41 : i32 to vector<16xi32>
        %add3A_44 = arith.addi %broadcast_in_dim3A_42, %add3A_43 : vector<16xi32>
        %gather3A = tpu.vector_load_idx %arg6[%add3A_44, %get3A_31] : memref<64x1024xf32, #tpu.memory_space<vmem>>[vector<16xi32>, vector<16xi32>], vector<16xf32>,
        %swap3A = arith.index_cast %add3A_41 : i32 to index
        %swap3A_45 = arith.index_cast %add3A_30 : i32 to index
        %swap3A_46 = tpu.vector_load %arg7[%swap3A, %swap3A_45] {strides = array<i32>} : memref<64x512xf32, #tpu.memory_space<vmem>>, vector<16xf32>,
        tpu.vector_store %arg7[%swap3A, %swap3A_45], %gather3A {strides = array<i32>} : memref<64x512xf32, #tpu.memory_space<vmem>>, vector<16xf32>,
      }
      %scan3A_36 = arith.constant 64 : i32
    }
    %scan3A_25 = arith.constant 32 : i32
    "tpu.region"() ({
      %run_scoped3A = tpu.sem_alloc : memref<!tpu.dma_semaphore, #tpu.memory_space<semaphore_mem>>
      %dma_start3A = arith.constant 0 : i32
      %dma_start3A_26 = tpu.memref_slice %arg4[%select_n3A, %dma_start3A, %sub3A_21] : memref<16x64x1024xf32, #tpu.memory_space<hbm>> -> memref<1x64x512xf32, #tpu.memory_space<hbm>>
      %dma_start3A_27 = tpu.memref_squeeze %dma_start3A_26 : memref<1x64x512xf32, #tpu.memory_space<hbm>> -> memref<64x512xf32, #tpu.memory_space<hbm>>
      %dma_start3A_28 = arith.constant 0 : i32
      %dma_start3A_29 = tpu.memref_slice %arg4[%select_n3A, %dma_start3A_28, %sub3A_21] : memref<16x64x1024xf32, #tpu.memory_space<hbm>> -> memref<1x64x512xf32, #tpu.memory_space<hbm>>
      %dma_start3A_30 = tpu.memref_squeeze %dma_start3A_29 : memref<1x64x512xf32, #tpu.memory_space<hbm>> -> memref<64x512xf32, #tpu.memory_space<hbm>>
      tpu.enqueue_dma source(%arg7 : memref<64x512xf32, #tpu.memory_space<vmem>>) target(%dma_start3A_30 : memref<64x512xf32, #tpu.memory_space<hbm>>) target_semaphore(%run_scoped3A : memref<!tpu.dma_semaphore, #tpu.memory_space<semaphore_mem>>)
      %dma_wait3A = arith.constant 0 : i32
      %dma_wait3A_31 = tpu.memref_slice %arg4[%select_n3A, %dma_wait3A, %sub3A_21] : memref<16x64x1024xf32, #tpu.memory_space<hbm>> -> memref<1x64x512xf32, #tpu.memory_space<hbm>>
      %dma_wait3A_32 = tpu.memref_squeeze %dma_wait3A_31 : memref<1x64x512xf32, #tpu.memory_space<hbm>> -> memref<64x512xf32, #tpu.memory_space<hbm>>
      %dma_wait3A_33 = arith.constant 0 : i32
      %dma_wait3A_34 = tpu.memref_slice %arg4[%select_n3A, %dma_wait3A_33, %sub3A_21] : memref<16x64x1024xf32, #tpu.memory_space<hbm>> -> memref<1x64x512xf32, #tpu.memory_space<hbm>>
      %dma_wait3A_35 = tpu.memref_squeeze %dma_wait3A_34 : memref<1x64x512xf32, #tpu.memory_space<hbm>> -> memref<64x512xf32, #tpu.memory_space<hbm>>
      tpu.wait_dma2 semaphore(%run_scoped3A : memref<!tpu.dma_semaphore, #tpu.memory_space<semaphore_mem>>) src(%arg7 : memref<64x512xf32, #tpu.memory_space<vmem>>) dst(%dma_wait3A_35 : memref<64x512xf32, #tpu.memory_space<hbm>>)
      tpu.yield
    }) : () -> ()
    return
  }
}

module attributes {stable_mosaic.version = 14 : i64} {
  func.func @_argmin_body(%arg0: i32, %arg1: memref<2x64x1024xf32, #tpu.memory_space<vmem>>, %arg2: memref<1024x64xf32, #tpu.memory_space<vmem>>, %arg3: memref<2x1x1024xi32, #tpu.memory_space<vmem>>, %arg4: memref<1x1xf32, #tpu.memory_space<smem>>) attributes {dimension_semantics = [#tpu.dimension_semantics<arbitrary>], iteration_bounds = array<i64: 8>, scalar_prefetch = 0 : i64, scratch_operands = 0 : i64, tpu.core_type = #tpu.core_type<tc>, window_params = [{transform_indices = @transform_0, window_bounds = array<i64: 2, 64, 1024>}, {pipeline_mode = #tpu.pipeline_mode<synchronous>, transform_indices = @transform_1, window_bounds = array<i64: 1024, 64>}, {transform_indices = @transform_2, window_bounds = array<i64: 2, 1, 1024>}, {transform_indices = @transform_3, window_bounds = array<i64: 1, 1>}]} {
    %get3A = arith.constant 0 : index
    %get3A_0 = arith.constant 0 : index
    %get3A_1 = vector.load %arg2[%get3A, %get3A_0] : memref<1024x64xf32, #tpu.memory_space<vmem>>, vector<1024x64xf32>
    %mul3A = arith.mulf %get3A_1, %get3A_1 : vector<1024x64xf32>
    %reduce_sum3A = arith.constant dense<0.000000e+00> : vector<1024xf32>
    %reduce_sum3A_2 = vector.multi_reduction <add>, %mul3A, %reduce_sum3A [1] : vector<1024x64xf32> to vector<1024xf32>
    %broadcast_in_dim3A = vector.shape_cast %reduce_sum3A_2 : vector<1024xf32> to vector<1024x1xf32>
    %iota3A = tpu.iota {dimensions = array<i32: 0>} : vector<1024x1xi32>
    %convert_element_type3A = arith.sitofp %iota3A : vector<1024x1xi32> to vector<1024x1xf32>
    %eq3A = arith.constant 0 : i32
    %eq3A_3 = arith.cmpi eq, %arg0, %eq3A : i32
    %convert_element_type3A_4 = arith.extui %eq3A_3 : i1 to i32
    %cond3A = arith.constant 0 : i32
    %cond3A_5 = arith.cmpi ne, %convert_element_type3A_4, %cond3A : i32
    scf.if %cond3A_5 {
      %swap3A_105 = arith.constant 0.000000e+00 : f32
      %swap3A_106 = arith.constant 0 : index
      %swap3A_107 = arith.constant 0 : index
      %swap3A_108 = memref.load %arg4[%swap3A_106, %swap3A_107] : memref<1x1xf32, #tpu.memory_space<smem>>
      memref.store %swap3A_105, %arg4[%swap3A_106, %swap3A_107] : memref<1x1xf32, #tpu.memory_space<smem>>
    } else {
    }
    %get3A_6 = arith.constant 0 : index
    %get3A_7 = arith.constant 0 : index
    %get3A_8 = arith.constant 0 : index
    %get3A_9 = vector.load %arg1[%get3A_6, %get3A_7, %get3A_8] : memref<2x64x1024xf32, #tpu.memory_space<vmem>>, vector<1x64x1024xf32>
    %get3A_10 = vector.shape_cast %get3A_9 : vector<1x64x1024xf32> to vector<64x1024xf32>
    %mul3A_11 = arith.mulf %get3A_10, %get3A_10 : vector<64x1024xf32>
    %reduce_sum3A_12 = arith.constant dense<0.000000e+00> : vector<1024xf32>
    %reduce_sum3A_13 = vector.multi_reduction <add>, %mul3A_11, %reduce_sum3A_12 [0] : vector<64x1024xf32> to vector<1024xf32>
    %broadcast_in_dim3A_14 = vector.shape_cast %reduce_sum3A_13 : vector<1024xf32> to vector<1x1024xf32>
    %dot_general3A = arith.constant dense<0.000000e+00> : vector<1024x1024xf32>
    %dot_general3A_15 = tpu.matmul %get3A_1, %get3A_10, %dot_general3A {dimension_numbers = #tpu.dot_dimension_numbers<[1], [0], [0], [1], [0, 0, 1, 1], [], []>, transpose_lhs_hint = false} : vector<1024x64xf32>, vector<64x1024xf32>, vector<1024x1024xf32> -> vector<1024x1024xf32>
    %mul3A_16 = arith.constant 5.000000e-01 : f32
    %mul3A_17 = vector.broadcast %mul3A_16 : f32 to vector<1x1024xf32>
    %mul3A_18 = arith.mulf %mul3A_17, %broadcast_in_dim3A_14 : vector<1x1024xf32>
    %mul3A_19 = arith.constant 5.000000e-01 : f32
    %mul3A_20 = vector.broadcast %mul3A_19 : f32 to vector<1024x1xf32>
    %mul3A_21 = arith.mulf %mul3A_20, %broadcast_in_dim3A : vector<1024x1xf32>
    %add3A = vector.broadcast %mul3A_18 : vector<1x1024xf32> to vector<1024x1024xf32>
    %add3A_22 = vector.broadcast %mul3A_21 : vector<1024x1xf32> to vector<1024x1024xf32>
    %add3A_23 = arith.addf %add3A, %add3A_22 : vector<1024x1024xf32>
    %sub3A = arith.subf %add3A_23, %dot_general3A_15 : vector<1024x1024xf32>
    %reduce_min3A = arith.constant dense<0x7F800000> : vector<1024xf32>
    %reduce_min3A_24 = vector.multi_reduction <minimumf>, %sub3A, %reduce_min3A [0] : vector<1024x1024xf32> to vector<1024xf32>
    %broadcast_in_dim3A_25 = vector.shape_cast %reduce_min3A_24 : vector<1024xf32> to vector<1x1024xf32>
    %eq3A_26 = vector.broadcast %broadcast_in_dim3A_25 : vector<1x1024xf32> to vector<1024x1024xf32>
    %eq3A_27 = arith.cmpf oeq, %sub3A, %eq3A_26 : vector<1024x1024xf32>
    %jit3A = arith.constant 1.024000e+03 : f32
    %broadcast_in_dim3A_28 = vector.shape_cast %convert_element_type3A : vector<1024x1xf32> to vector<1024x1xf32>
    %broadcast_in_dim3A_29 = vector.broadcast %broadcast_in_dim3A_28 : vector<1024x1xf32> to vector<1024x1024xf32>
    %broadcast_in_dim3A_30 = vector.broadcast %jit3A : f32 to vector<1024x1024xf32>
    %select_n3A = arith.select %eq3A_27, %broadcast_in_dim3A_29, %broadcast_in_dim3A_30 : vector<1024x1024xi1>, vector<1024x1024xf32>
    %reduce_min3A_31 = arith.constant dense<0x7F800000> : vector<1024xf32>
    %reduce_min3A_32 = vector.multi_reduction <minimumf>, %select_n3A, %reduce_min3A_31 [0] : vector<1024x1024xf32> to vector<1024xf32>
    %broadcast_in_dim3A_33 = vector.shape_cast %reduce_min3A_32 : vector<1024xf32> to vector<1x1024xf32>
    %convert_element_type3A_34 = arith.fptosi %broadcast_in_dim3A_33 : vector<1x1024xf32> to vector<1x1024xi32>
    %swap3A = arith.constant 0 : index
    %swap3A_35 = arith.constant 0 : index
    %swap3A_36 = arith.constant 0 : index
    %swap3A_37 = vector.load %arg3[%swap3A, %swap3A_35, %swap3A_36] : memref<2x1x1024xi32, #tpu.memory_space<vmem>>, vector<1x1x1024xi32>
    %swap3A_38 = vector.shape_cast %swap3A_37 : vector<1x1x1024xi32> to vector<1x1024xi32>
    %swap3A_39 = vector.shape_cast %convert_element_type3A_34 : vector<1x1024xi32> to vector<1x1x1024xi32>
    tpu.vector_store %arg3[%swap3A, %swap3A_35, %swap3A_36], %swap3A_39 {strides = array<i32>} : memref<2x1x1024xi32, #tpu.memory_space<vmem>>, vector<1x1x1024xi32>,
    %get3A_40 = arith.constant 0 : index
    %get3A_41 = arith.constant 0 : index
    %get3A_42 = memref.load %arg4[%get3A_40, %get3A_41] : memref<1x1xf32, #tpu.memory_space<smem>>
    %reduce_sum3A_43 = vector.shape_cast %broadcast_in_dim3A_25 : vector<1x1024xf32> to vector<1x1x1024xf32>
    %reduce_sum3A_44 = arith.constant dense<0.000000e+00> : vector<1xf32>
    %reduce_sum3A_45 = vector.multi_reduction <add>, %reduce_sum3A_43, %reduce_sum3A_44 [1, 2] : vector<1x1x1024xf32> to vector<1xf32>
    %reduce_sum3A_46 = vector.shape_cast %reduce_sum3A_45 : vector<1xf32> to vector<1x1x1xf32>
    %reduce_sum3A_47 = vector.extract %reduce_sum3A_46[0, 0, 0] : f32 from vector<1x1x1xf32>
    %add3A_48 = arith.addf %get3A_42, %reduce_sum3A_47 : f32
    %swap3A_49 = arith.constant 0 : index
    %swap3A_50 = arith.constant 0 : index
    %swap3A_51 = memref.load %arg4[%swap3A_49, %swap3A_50] : memref<1x1xf32, #tpu.memory_space<smem>>
    memref.store %add3A_48, %arg4[%swap3A_49, %swap3A_50] : memref<1x1xf32, #tpu.memory_space<smem>>
    %get3A_52 = arith.constant 1 : index
    %get3A_53 = arith.constant 0 : index
    %get3A_54 = arith.constant 0 : index
    %get3A_55 = vector.load %arg1[%get3A_52, %get3A_53, %get3A_54] : memref<2x64x1024xf32, #tpu.memory_space<vmem>>, vector<1x64x1024xf32>
    %get3A_56 = vector.shape_cast %get3A_55 : vector<1x64x1024xf32> to vector<64x1024xf32>
    %mul3A_57 = arith.mulf %get3A_56, %get3A_56 : vector<64x1024xf32>
    %reduce_sum3A_58 = arith.constant dense<0.000000e+00> : vector<1024xf32>
    %reduce_sum3A_59 = vector.multi_reduction <add>, %mul3A_57, %reduce_sum3A_58 [0] : vector<64x1024xf32> to vector<1024xf32>
    %broadcast_in_dim3A_60 = vector.shape_cast %reduce_sum3A_59 : vector<1024xf32> to vector<1x1024xf32>
    %dot_general3A_61 = arith.constant dense<0.000000e+00> : vector<1024x1024xf32>
    %dot_general3A_62 = tpu.matmul %get3A_1, %get3A_56, %dot_general3A_61 {dimension_numbers = #tpu.dot_dimension_numbers<[1], [0], [0], [1], [0, 0, 1, 1], [], []>, transpose_lhs_hint = false} : vector<1024x64xf32>, vector<64x1024xf32>, vector<1024x1024xf32> -> vector<1024x1024xf32>
    %mul3A_63 = arith.constant 5.000000e-01 : f32
    %mul3A_64 = vector.broadcast %mul3A_63 : f32 to vector<1x1024xf32>
    %mul3A_65 = arith.mulf %mul3A_64, %broadcast_in_dim3A_60 : vector<1x1024xf32>
    %mul3A_66 = arith.constant 5.000000e-01 : f32
    %mul3A_67 = vector.broadcast %mul3A_66 : f32 to vector<1024x1xf32>
    %mul3A_68 = arith.mulf %mul3A_67, %broadcast_in_dim3A : vector<1024x1xf32>
    %add3A_69 = vector.broadcast %mul3A_65 : vector<1x1024xf32> to vector<1024x1024xf32>
    %add3A_70 = vector.broadcast %mul3A_68 : vector<1024x1xf32> to vector<1024x1024xf32>
    %add3A_71 = arith.addf %add3A_69, %add3A_70 : vector<1024x1024xf32>
    %sub3A_72 = arith.subf %add3A_71, %dot_general3A_62 : vector<1024x1024xf32>
    %reduce_min3A_73 = arith.constant dense<0x7F800000> : vector<1024xf32>
    %reduce_min3A_74 = vector.multi_reduction <minimumf>, %sub3A_72, %reduce_min3A_73 [0] : vector<1024x1024xf32> to vector<1024xf32>
    %broadcast_in_dim3A_75 = vector.shape_cast %reduce_min3A_74 : vector<1024xf32> to vector<1x1024xf32>
    %eq3A_76 = vector.broadcast %broadcast_in_dim3A_75 : vector<1x1024xf32> to vector<1024x1024xf32>
    %eq3A_77 = arith.cmpf oeq, %sub3A_72, %eq3A_76 : vector<1024x1024xf32>
    %jit3A_78 = arith.constant 1.024000e+03 : f32
    %broadcast_in_dim3A_79 = vector.shape_cast %convert_element_type3A : vector<1024x1xf32> to vector<1024x1xf32>
    %broadcast_in_dim3A_80 = vector.broadcast %broadcast_in_dim3A_79 : vector<1024x1xf32> to vector<1024x1024xf32>
    %broadcast_in_dim3A_81 = vector.broadcast %jit3A_78 : f32 to vector<1024x1024xf32>
    %select_n3A_82 = arith.select %eq3A_77, %broadcast_in_dim3A_80, %broadcast_in_dim3A_81 : vector<1024x1024xi1>, vector<1024x1024xf32>
    %reduce_min3A_83 = arith.constant dense<0x7F800000> : vector<1024xf32>
    %reduce_min3A_84 = vector.multi_reduction <minimumf>, %select_n3A_82, %reduce_min3A_83 [0] : vector<1024x1024xf32> to vector<1024xf32>
    %broadcast_in_dim3A_85 = vector.shape_cast %reduce_min3A_84 : vector<1024xf32> to vector<1x1024xf32>
    %convert_element_type3A_86 = arith.fptosi %broadcast_in_dim3A_85 : vector<1x1024xf32> to vector<1x1024xi32>
    %swap3A_87 = arith.constant 1 : index
    %swap3A_88 = arith.constant 0 : index
    %swap3A_89 = arith.constant 0 : index
    %swap3A_90 = vector.load %arg3[%swap3A_87, %swap3A_88, %swap3A_89] : memref<2x1x1024xi32, #tpu.memory_space<vmem>>, vector<1x1x1024xi32>
    %swap3A_91 = vector.shape_cast %swap3A_90 : vector<1x1x1024xi32> to vector<1x1024xi32>
    %swap3A_92 = vector.shape_cast %convert_element_type3A_86 : vector<1x1024xi32> to vector<1x1x1024xi32>
    tpu.vector_store %arg3[%swap3A_87, %swap3A_88, %swap3A_89], %swap3A_92 {strides = array<i32>} : memref<2x1x1024xi32, #tpu.memory_space<vmem>>, vector<1x1x1024xi32>,
    %get3A_93 = arith.constant 0 : index
    %get3A_94 = arith.constant 0 : index
    %get3A_95 = memref.load %arg4[%get3A_93, %get3A_94] : memref<1x1xf32, #tpu.memory_space<smem>>
    %reduce_sum3A_96 = vector.shape_cast %broadcast_in_dim3A_75 : vector<1x1024xf32> to vector<1x1x1024xf32>
    %reduce_sum3A_97 = arith.constant dense<0.000000e+00> : vector<1xf32>
    %reduce_sum3A_98 = vector.multi_reduction <add>, %reduce_sum3A_96, %reduce_sum3A_97 [1, 2] : vector<1x1x1024xf32> to vector<1xf32>
    %reduce_sum3A_99 = vector.shape_cast %reduce_sum3A_98 : vector<1xf32> to vector<1x1x1xf32>
    %reduce_sum3A_100 = vector.extract %reduce_sum3A_99[0, 0, 0] : f32 from vector<1x1x1xf32>
    %add3A_101 = arith.addf %get3A_95, %reduce_sum3A_100 : f32
    %swap3A_102 = arith.constant 0 : index
    %swap3A_103 = arith.constant 0 : index
    %swap3A_104 = memref.load %arg4[%swap3A_102, %swap3A_103] : memref<1x1xf32, #tpu.memory_space<smem>>
    memref.store %add3A_101, %arg4[%swap3A_102, %swap3A_103] : memref<1x1xf32, #tpu.memory_space<smem>>
    return
  }
  func.func @transform_0(%arg0: i32) -> (i32, i32, i32) {
    %c0_i32 = arith.constant 0 : i32
    %c0_i32_0 = arith.constant 0 : i32
    %c0_i32_1 = arith.constant 0 : i32
    return %arg0, %c0_i32, %c0_i32_0 : i32, i32, i32
  }
  func.func @transform_1(%arg0: i32) -> (i32, i32) {
    %c0_i32 = arith.constant 0 : i32
    %c0_i32_0 = arith.constant 0 : i32
    %c0_i32_1 = arith.constant 0 : i32
    return %c0_i32, %c0_i32_0 : i32, i32
  }
  func.func @transform_2(%arg0: i32) -> (i32, i32, i32) {
    %c0_i32 = arith.constant 0 : i32
    %c0_i32_0 = arith.constant 0 : i32
    %c0_i32_1 = arith.constant 0 : i32
    return %arg0, %c0_i32, %c0_i32_0 : i32, i32, i32
  }
  func.func @transform_3(%arg0: i32) -> (i32, i32) {
    %c0_i32 = arith.constant 0 : i32
    %c0_i32_0 = arith.constant 0 : i32
    %c0_i32_1 = arith.constant 0 : i32
    return %c0_i32, %c0_i32_0 : i32, i32
  }
}

</mosaic_0001>

<sc_bundles>
// kernel: kernel.4.cloned.1.call-start
scs
__scs_entry_jumppad:
0x0: {  	(pc) =	sbr.rel $0x88, $3  }
0x1: {  	(tag) =	ssettag $0x0;
	lr =	simm.s32 $0x1  }
0x2: {  	[smem:$0x3F9F] =	sst lr;
	_ =	strace $0xD0000000  }
0x3: {  	_ = 	snop  }
0x4: {  	_ = 	snop  }
0x5: {  	_ = 	snop  }
0x6: {  	_ = 	snop  }
0x7: {  	_ = 	snop  }
__scs_overlays_trampoline_lowered:
0x8: {  	[smem:$0x3FAE] =	sst s0  }
0x9: {  	[smem:$0x3FAF] =	sst s1  }
0xa: {  	[smem:$0x3FB0] =	sst s2  }
0xb: {  	[smem:$0x3FB1] =	sst s3  }
0xc: {  	[smem:$0x3FB2] =	sst s4  }
0xd: {  	[smem:$0x3FB3] =	sst s5  }
0xe: {  	[smem:$0x3FB4] =	sst s6  }
0xf: {  	[smem:$0x3FB5] =	sst s7  }
0x10: {  	[smem:$0x3FB6] =	sst s8  }
0x11: {  	[smem:$0x3FB7] =	sst s9;
	s0 =	simm.s32 @!p0 $0x0  }
0x12: {  	s1 =	sld [smem:$0x3F9D];
	s0 =	simm.s32 @p0 $0x1  }
0x13: {  	[smem:$0x3FB8] =	sst s0;
	s0 =	simm.s32 @!p1 $0x0  }
0x14: {  	s2 =	sld [smem:$0x3F9C];
	s0 =	simm.s32 @p1 $0x1  }
0x15: {  	[smem:$0x3FB9] =	sst s0;
	s0 =	simm.s32 @!p2 $0x0  }
0x16: {  	s3 =	sld [smem:$0x3FDB];
	s0 =	simm.s32 @p2 $0x1  }
0x17: {  	s4 =	simm.s32 $0x1BF5;
	[smem:$0x3FBB] =	sst s0  }
0x18: {  	s0 =	sld [smem:$0x3F9E];
	_ =	swait.ge [sflag:s4], $0x0  }
0x19: {  	s7 =	sld [smem:$0x3F9F]  }
0x1a: {  	s8 =	sadd.s32 $0xFFFFE003, lr  }
0x1b: {  	s9 =	sadd.s32 $0xFFFFFEF7, lr;
	s5 =	simm.s32 $0xFFFFFFFF;
	p2 =	slt.u32 s8, $0xFFFFF086  }
0x1c: {  	p1 =	slt.u32 s9, $0xF7A;
	s5 =	simm.s32 @!p2 $0x0  }
0x1d: {  	s5 =	simm.s32 @p1 $0x1;
	p0 =	seq.s32 s7, s2  }
0x1e: {  	s7 =	smul.u32 @!p0 $0xF7A, s2;
	p2 =	seq.s32 @!p0 s5, $0x0  }
0x1f: {  	s9 =	smul.u32 $0xF7A, s1;
	s8 =	simm.s32 @!p0 $0x1BF5;
	p2 =	por !p2, p0  }
0x20: {  	[sflag:s8] =	ssyncset.s32 @!p0 $0xFFFFF086;
	s6 =	sadd.s32 @!p0 s3, s7;
	s7 =	simm.s32 @!p0 $0x108  }
0x21: {  	s3 =	sadd.s32 s3, s9;
	s6 =	sadd.s32 @!p0 $0x88, s6;
	s7 =	simm.s32 @p2 $0x1082  }
0x22: {  	[simem:s7], [sflag:s8] =	dma.local @!p0 [hbm:s6], $0xF7A  }
0x23: {  	s9 =	sor.u32 $0xD0000000, s2;
	s6 =	simm.s32 $0x108;
	_ =	swait.ge @!p0 [sflag:s8], $0x0  }
0x24: {  	s3 =	sadd.s32 $0x88, s3;
	s6 =	simm.s32 @!p1 $0x1082;
	[sflag:s4] =	ssyncset.s32 $0xFFFFF086  }
0x25: {  	[simem:s6], [sflag:s4] =	dma.local [hbm:s3], $0xF7A  }
0x26: {  	[smem:$0x3F9F] =	sst s1;
	(tag) =	ssettag s2;
	_ =	strace s9  }
0x27: {  	s1 =	sld [smem:$0x3FAF]  }
0x28: {  	s2 =	sld [smem:$0x3FB0]  }
0x29: {  	s4 =	sld [smem:$0x3FB2]  }
0x2a: {  	p0 =	seq.s32 s5, $0x0;
	s5 =	sld [smem:$0x3FB3]  }
0x2b: {  	s6 =	sld [smem:$0x3FB4]  }
0x2c: {  	s7 =	sld [smem:$0x3FB5]  }
0x2d: {  	s3 =	simm.s32 $0x108;
	s8 =	sld [smem:$0x3FB6]  }
0x2e: {  	s3 =	simm.s32 @!p0 $0x1082;
	s9 =	sld [smem:$0x3FB7]  }
0x2f: {  	lr =	sadd.s32 s0, s3;
	s0 =	sld [smem:$0x3FAE]  }
0x30: {  	s3 =	sld [smem:$0x3FB1]  }
0x31: {  	[smem:$0x3FBA] =	sst s10  }
0x32: {  	s10 =	sld [smem:$0x3FB8];
	_ =	sdelay $0x3  }
0x33: {  	p0 =	seq.s32 s10, $0x1;
	s10 =	sld [smem:$0x3FBA];
	_ =	sdelay $0x3  }
0x34: {  	[smem:$0x3FBA] =	sst s10  }
0x35: {  	s10 =	sld [smem:$0x3FB9];
	_ =	sdelay $0x3  }
0x36: {  	p1 =	seq.s32 s10, $0x1;
	s10 =	sld [smem:$0x3FBA];
	_ =	sdelay $0x3  }
0x37: {  	[smem:$0x3FBA] =	sst s10  }
0x38: {  	s10 =	sld [smem:$0x3FBB]  }
0x39: {  	_ = 	snop;
	(pc) =	sbr.ind lr, $3  }
0x3a: {  	_ = 	snop  }
0x3b: {  	_ = 	snop  }
0x3c: {  	p2 =	seq.s32 s10, $0x1;
	s10 =	sld [smem:$0x3FBA]  }
0x3d: {  	_ =	shalt  }
0x3e: {  	_ =	shalt  }
0x3f: {  	_ =	shalt  }
0x40: {  	_ =	shalt  }
0x41: {  	_ =	shalt  }
0x42: {  	_ =	shalt  }
0x43: {  	_ =	shalt  }
0x44: {  	_ =	shalt  }
0x45: {  	_ =	shalt  }
0x46: {  	_ =	shalt  }
0x47: {  	_ =	shalt  }
0x48: {  	_ =	shalt  }
0x49: {  	_ =	shalt  }
0x4a: {  	_ =	shalt  }
0x4b: {  	_ =	shalt  }
0x4c: {  	_ =	shalt  }
0x4d: {  	_ =	shalt  }
0x4e: {  	_ =	shalt  }
0x4f: {  	_ =	shalt  }
0x50: {  	_ =	shalt  }
0x51: {  	_ =	shalt  }
0x52: {  	_ =	shalt  }
0x53: {  	_ =	shalt  }
0x54: {  	_ =	shalt  }
0x55: {  	_ =	shalt  }
0x56: {  	_ =	shalt  }
0x57: {  	_ =	shalt  }
0x58: {  	_ =	shalt  }
0x59: {  	_ =	shalt  }
0x5a: {  	_ =	shalt  }
0x5b: {  	_ =	shalt  }
0x5c: {  	_ =	shalt  }
0x5d: {  	_ =	shalt  }
0x5e: {  	_ =	shalt  }
0x5f: {  	_ =	shalt  }
0x60: {  	_ =	shalt  }
0x61: {  	_ =	shalt  }
0x62: {  	_ =	shalt  }
0x63: {  	_ =	shalt  }
0x64: {  	_ =	shalt  }
0x65: {  	_ =	shalt  }
0x66: {  	_ =	shalt  }
0x67: {  	_ =	shalt  }
0x68: {  	_ =	shalt  }
0x69: {  	_ =	shalt  }
0x6a: {  	_ =	shalt  }
0x6b: {  	_ =	shalt  }
0x6c: {  	_ =	shalt  }
0x6d: {  	_ =	shalt  }
0x6e: {  	_ =	shalt  }
0x6f: {  	_ =	shalt  }
0x70: {  	_ =	shalt  }
0x71: {  	_ =	shalt  }
0x72: {  	_ =	shalt  }
0x73: {  	_ =	shalt  }
0x74: {  	_ =	shalt  }
0x75: {  	_ =	shalt  }
0x76: {  	_ =	shalt  }
0x77: {  	_ =	shalt  }
0x78: {  	_ =	shalt  }
0x79: {  	_ =	shalt  }
0x7a: {  	_ =	shalt  }
0x7b: {  	_ =	shalt  }
0x7c: {  	_ =	shalt  }
0x7d: {  	_ =	shalt  }
0x7e: {  	_ =	shalt  }
0x7f: {  	_ =	shalt  }
0x80: {  	_ =	shalt  }
0x81: {  	_ =	shalt  }
0x82: {  	_ =	shalt  }
0x83: {  	_ =	shalt  }
0x84: {  	_ =	shalt  }
0x85: {  	_ =	shalt  }
0x86: {  	_ =	shalt  }
0x87: {  	_ =	shalt  }
.Lfunc_end0:
.L_simem_size_0:
called_computation_lowered:
.L_overlay_start_0:
0x88: {  	s2 =	sld [smem:$0x3FD9]  }
0x89: {  	s3 =	sld [smem:$0x3FFE];
	_ =	sdelay $0x1  }
0x8a: {  	s1 =	srdreg.scid  }
0x8b: {  	s0 =	sand.u32 $0x1, s1  }
0x8c: {  	s14 =	sshll.u32 s0, $0xA;
	s2 =	sadd.s32 s3, s2  }
0x8d: {  	s2 =	sadd.s32 s2, s14  }
0x8e: {  	[smem:$0x3FC6] =	sst s2  }
0x8f: {  	_ = 	snop  }
0x90: {  	s2 =	sld [smem:$0x3FD0];
	_ =	sdelay $0x2  }
0x91: {  	s4 =	simm.s32 $0xA;
	s5 =	simm.s32 $0x10;
	s15 =	sld [smem:$0x3FC8]  }
0x92: {  	[smem:s5], [sflag:s4] =	dma.local [hbm:s2], $0x1  }
0x93: {  	_ =	swait.eq [sflag:s4], $0x1  }
0x94: {  	[sflag:s4] =	ssyncset.done $0x0  }
0x95: {  	[sflag:s4] =	ssyncadd.s32 $0xFFFFFFFF  }
0x96: {  	s16 =	sld [smem:$0x10];
	(tm) =	ssettm $0x1  }
0x97: {  	s17 =	sld [smem:$0x3FFB];
	_ =	sdelay $0x3  }
0x98: {  	_ =	strace s17  }
0x99: {  	s4 =	sld [smem:$0x3FFC];
	_ =	sdelay $0x3  }
0x9a: {  	_ =	strace s4  }
0x9b: {  	s4 =	sld [smem:$0x3FFD];
	_ =	sdelay $0x3  }
0x9c: {  	_ =	strace s4  }
0x9d: {  	_ =	strace $0x8FFFFFFF  }
0x9e: {  	s18 =	sld [smem:$0x3FDB];
	_ =	sdelay $0x1  }
0x9f: {  	s19 =	simm.s32 $_scs_section_size  }
0xa0: {  	s6 =	simm.s32 $_size__tile_overlayer_lowered;
	s7 =	simm.s32 $_tile_overlayer_lowered  }
0xa1: {  	s22 =	simm.s32 $0x1BFF;
	s21 =	sshll.u32 s7, $0x1;
	s4 =	sadd.s32 s19, s18  }
0xa2: {  	s8 =	simm.s32 $0x0;
	s20 =	sshll.u32 s6, $0x1;
	s6 =	sadd.s32 s21, s4  }
0xa3: {  	[timem:s8], [sflag:s22] =	dma.local [hbm:s6], s20  }
0xa4: {  	_ =	swait.ge [sflag:s22], s20  }
0xa5: {  	s5 =	ssub.s32 $0x0, s20;
	[sflag:s22] =	ssyncset.done $0x0  }
0xa6: {  	[sflag:s22] =	ssyncadd.s32 s5;
	_ =	sdelay $0x1  }
0xa7: {  	s23 =	simm.s32 $0x1B8B  }
0xa8: {  	_ =	swait.ge [sflag:s23], $0x1  }
0xa9: {  	[sflag:s23] =	ssyncset.done $0x0  }
0xaa: {  	s25 =	simm.s32 $0x1B8E;
	s24 =	sld [smem:$0x3FFE];
	[sflag:s23] =	ssyncadd.s32 $0xFFFFFFFF  }
0xab: {  	s26 =	simm.s32 $execute0_lowered;
	[smem:$0x3FD2] =	sst s25  }
0xac: {  	s6 =	sshll.u32 s26, $0x1;
	_ =	strace $0x80000046;
	[dreg:$0x1] =	wrdreg $0xFFFFFFFF  }
0xad: {  	s28 =	simm.s32 $_size_execute0_lowered;
	s4 =	sadd.s32 s4, s6;
	[dreg:$0x0] =	wrdreg $0x0  }
0xae: {  	s6 =	sshll.u32 s28, $0x1;
	[dreg:$0x2] =	wrdreg s4  }
0xaf: {  	[dreg:$0x3] =	wrdreg s6  }
0xb0: {  	[dreg:$0x4] =	wrdreg $0xC0  }
0xb1: {  	_ =	task [dreg:s8], $0x5FFFF  }
0xb2: {  	[dreg:$0x1] =	wrdreg $0xFFFFFFFF  }
0xb3: {  	[dreg:$0x0] =	wrdreg $0x60  }
0xb4: {  	[dreg:$0x2] =	wrdreg s15  }
0xb5: {  	[dreg:$0x3] =	wrdreg s16  }
0xb6: {  	[dreg:$0x4] =	wrdreg s24  }
0xb7: {  	[dreg:$0x5] =	wrdreg $0x9  }
0xb8: {  	_ =	task.clear_ibuf [dreg:s8], $0x6FFFF;
	_ =	strace $0x90000046  }
0xb9: {  	s29 =	simm.s32 $0x9;
	_ =	strace $0x80000048  }
0xba: {  	_ =	swait.ge [sflag:s29], $0x1  }
0xbb: {  	[sflag:s29] =	ssyncadd.s32 $0xFFFFFFFF  }
0xbc: {  	_ =	strace $0x90000048  }
0xbd: {  	_ =	sfence  }
0xbe: {  	s30 =	sld [smem:$0x0];
	_ =	sdelay $0x2  }
0xbf: {  	s31 =	sshll.u32 s1, $0xD;
	s1 =	sshrl.u32 s1, $0x2  }
0xc0: {  	s3 =	sand.u32 $0x4000, s31;
	s1 =	sadd.s32 s1, s30  }
0xc1: {  	s0 =	sor.u32 s3, s0;
	s1 =	sshll.u32 s1, $0x11  }
0xc2: {  	s0 =	sor.u32 s1, s0  }
0xc3: {  	s0 =	sadd.s32 $0x8F2B, s0  }
0xc4: {  	[sflag:s0] =	ssyncadd.remote.s32 $0x1  }
0xc5: {  	_ =	sfence.sel $0xFFFF  }
0xc6: {  	[dreg:$0x0] =	wrdreg $0xFFFFFFFF;
	(pc) =	sbr.abs _section_cstart, $3  }
0xc7: {  	[dreg:$0x1] =	wrdreg $0xFFFFFFFF  }
0xc8: {  	_ =	task.clear_ibuf [dreg:s8], $0x2FFFF;
	_ =	strace $0x9FFFFFFF  }
0xc9: {  	(tm) =	ssettm $0x7FFFFFFF  }
tec
execute0_lowered:
.L_overlay_start_1:
0x0: {  	(tag) =	ssettag $0x1  }
0x1: {  	s1 =	srdreg.scid  }
0x2: {  	s0 =	stileid.u32;
	s5 =	sand.u32 $0x1, s1  }
0x3: {  	s30 =	sshll.u32 s0, $0xA;
	s2 =	sshll.u32 s5, $0x9  }
0x4: {  	s6 =	sor.u32 s2, s30  }
0x5: {  	p1 =	seq.s32 s5, $0x1;
	p0 =	seq.s32 s6, $0x0  }
0x6: {  	s7 =	rddreg [dreg:$0x1];
	p0 =	por !p0, !p1  }
0x7: {  	s3 =	simm.s32 $0x1;
	s8 =	rddreg [dreg:$0x2];
	p0 =	por !p0, !p0  }
0x8: {  	s11 =	simm.s32 $0x10200;
	s12 =	simm.s32 $0x0;
	s3 =	simm.s32 @!p0 $0x0  }
0x9: {  	s1 =	rddreg [dreg:$0x0];
	s5 =	ssub.s32 $0x2, s5;
	s4 =	ssub.s32 s0, s3  }
0xa: {  	s2 =	rddreg [dreg:$0x3];
	s9 =	sshll.u32 s6, $0x3;
	s10 =	sshll.u32 s4, $0xD  }
0xb: {  	s3 =	simm.s32 $0x0;
	s4 =	sshll.u32 s4, $0x10;
	s9 =	ssub.s32 s9, s10  }
0xc: {  	s31 =	sshrl.u32 s5, $0x1;
	[smem:$0x7FF] =	sst s3;
	s9 =	sadd.s32 s4, s9  }
0xd: {  	s6 =	sshrl.u32 s6, $0x3;
	_ =	strace $0x80000047;
	s9 =	sshrl.u32 s9, $0x3  }
0xe: {  	s10 =	simm.s32 $0x2000;
	s4 =	simm.s32 $0x1;
	s8 =	sadd.s32 s9, s8  }
0xf: {  	s9 =	ssub.s32 s5, s31;
	s5 =	sadd.s32 s7, s6;
	s6 =	sadd.s32 $0x800, s8  }
0x10: {  	s7 =	smax.u32 s9, $0x1;
	s8 =	simm.s32 $0x200;
	s9 =	simm.s32 $0x1000  }
.LBB2_1:
0x11: {  	[tilespmem:s3], [sflag:$0x1] =	stream.linear.gather [hbm4b:s5+s3], $0x200, $0x38;
	[tilespmem:$0x18200] =	vst v63  }
0x12: {  	_ =	swait.ge [sflag:s4], $0x200  }
0x13: {  	[sflag:s4] =	ssyncset.done $0x0  }
0x14: {  	[sflag:s4] =	ssyncadd.s32 $0xFFFFFE00  }
0x15: {  	[tilespmem:s8], [sflag:$0x1] =	stream.linear.gather [hbm4b:s1+s3], $0x10000, $0x38;
	[tilespmem:$0x18200] =	vst v63  }
0x16: {  	_ =	swait.ge [sflag:s4], $0x10000  }
0x17: {  	[sflag:s4] =	ssyncset.done $0x0  }
0x18: {  	s13 =	simm.s32 $0x0;
	[sflag:s4] =	ssyncadd.s32 $0xFFFF0000  }
.LBB2_2:
0x19: {  	s15 =	sshll.u32 s13, $0x4  }
0x1a: {  	v1 =	vld [tilespmem:s15+$0x0];
	_ =	sdelay $0x2  }
0x1b: {  	s14 =	simm.s32 $0x0  }
0x1c: {  	v2 =	vmov s14  }
0x1d: {  	v3 =	vshll.u32 v2, $0xA;
	v0 =	vshll.u32 v1, $0x3  }
0x1e: {  	v2 =	vshll.u32 v2, $0x7;
	v3 =	vand.u32 $0xE000, v3;
	v0 =	vand.u32 $0xFFFFFC00, v0  }
0x1f: {  	v2 =	vand.u32 $0x380, v2;
	v3 =	vadd.s32 v0, v3  }
0x20: {  	v1 =	vand.u32 $0x7F, v1;
	v2 =	vor.u32 v2, v3  }
0x21: {  	s16 =	simm.s32 $0x1;
	v3 =	vor.u32 v1, v2  }
0x22: {  	v2 =	vmov s16  }
0x23: {  	v4 =	vshll.u32 v2, $0xA  }
0x24: {  	v2 =	vshll.u32 v2, $0x7;
	v4 =	vand.u32 $0xE000, v4  }
0x25: {  	s18 =	sand.u32 $0x70, s15;
	v2 =	vand.u32 $0x380, v2;
	v4 =	vadd.s32 v0, v4  }
0x26: {  	s30 =	sshll.u32 s13, $0x7;
	v5 =	vor.u32 v2, v4;
	v2 =	vmov s18;
	v4 =	vld.idx.msk [tilespmem:v3+s8+$0x0], $0xffff  }
0x27: {  	s31 =	simm.s32 $0x2;
	s16 =	sand.u32 $0xC00, s30;
	v3 =	vor.u32 v1, v5  }
0x28: {  	s17 =	simm.s32 $0x3;
	s19 =	sand.u32 $0x7000, s14;
	s15 =	sor.u32 $0x10200, s16  }
0x29: {  	s16 =	simm.s32 $0x0;
	s19 =	sadd.s32 s19, s15;
	s18 =	sand.u32 $0x380, s14;
	v5 =	vmov s31  }
.LBB2_3:
0x2a: {  	p0 =	sne.s32 s17, $0x3F;
	v6 =	vshll.u32 v5, $0xA;
	s18 =	sadd.s32 s18, s19  }
0x2b: {  	v5 =	vshll.u32 v5, $0x7;
	v6 =	vand.u32 $0xE000, v6;
	[tilespmem:v2+s18+$0x0 ss:$0x1] =	vst.idx.msk $0xffff, v4  }
.Ltmp0:
0x2c: {  	v5 =	vand.u32 $0x380, v5;
	v6 =	vadd.s32 v0, v6;
	v4 =	vld.idx.msk [tilespmem:v3+s8+$0x0], $0xffff;
	(pc) =	sbr.rel @p0 .LBB2_3-.Ltmp0, $4  }
0x2d: {  	v3 =	vor.u32 v5, v6  }
0x2e: {  	s14 =	sadd.s32 $0x200, s14;
	v3 =	vor.u32 v1, v3  }
0x2f: {  	s16 =	sadd.s32 $0x80, s16;
	s19 =	sand.u32 $0x7000, s14  }
0x30: {  	s18 =	sand.u32 $0x380, s16;
	s19 =	sadd.s32 s19, s15;
	v5 =	vmov s17;
	s17 =	sadd.s32 $0x1, s17  }
0x31: {  	_ =	sdelay $0x1  }
0x32: {  	v6 =	vshll.u32 v5, $0xA  }
0x33: {  	s17 =	sadd.s32 s18, s19;
	v62 =	vshll.u32 v5, $0x7;
	v6 =	vand.u32 $0xE000, v6  }
0x34: {  	[tilespmem:v2+s17+$0x0 ss:$0x1] =	vst.idx.msk $0xffff, v4;
	v63 =	vand.u32 $0x380, v62;
	v0 =	vadd.s32 v0, v6  }
0x35: {  	v3 =	vld.idx.msk [tilespmem:v3+s8+$0x0], $0xffff;
	v0 =	vor.u32 v63, v0  }
0x36: {  	s14 =	sadd.s32 $0x200, s14;
	v0 =	vor.u32 v1, v0  }
0x37: {  	s16 =	sadd.s32 $0x80, s16;
	s30 =	sand.u32 $0x7000, s14  }
0x38: {  	s31 =	sand.u32 $0x380, s16;
	s17 =	sadd.s32 s30, s15  }
0x39: {  	s17 =	sadd.s32 s31, s17  }
0x3a: {  	s13 =	sadd.s32 $0x1, s13;
	[tilespmem:v2+s17+$0x0 ss:$0x1] =	vst.idx.msk $0xffff, v3  }
0x3b: {  	p0 =	sne.s32 s13, $0x20;
	v0 =	vld.idx.msk [tilespmem:v0+s8+$0x0], $0xffff  }
.Ltmp1:
0x3c: {  	s14 =	sadd.s32 $0x200, s14;
	(pc) =	sbr.rel @p0 .LBB2_2-.Ltmp1, $4  }
0x3d: {  	s16 =	sadd.s32 $0x80, s16;
	s14 =	sand.u32 $0x7000, s14  }
0x3e: {  	s16 =	sand.u32 $0x380, s16;
	s14 =	sadd.s32 s14, s15  }
0x3f: {  	s14 =	sadd.s32 s16, s14  }
0x40: {  	[tilespmem:v2+s14+$0x0 ss:$0x1] =	vst.idx.msk $0xffff, v0  }
0x41: {  	s12 =	sadd.s32 $0x1, s12  }
0x42: {  	p0 =	sne.s32 s12, s7  }
.Ltmp2:
0x43: {  	_ = 	snop;
	(pc) =	sbr.rel @p0 .LBB2_1-.Ltmp2, $4  }
0x44: {  	[hbm4b:s6+s9] =	stream.strided.scatter [tilespmem:s11], [sflag:$0x1], $0x8000, s10, s9, $0x38;
	[tilespmem:$0x18200] =	vst v63  }
0x45: {  	_ =	swait.ge [sflag:s4], $0x8000  }
0x46: {  	[sflag:s4] =	ssyncset.done $0x0  }
0x47: {  	[sflag:s4] =	ssyncadd.s32 $0xFFFF8000  }
0x48: {  	_ =	sfence.sel $0x180000  }
0x49: {  	[bflag:$0x0] =	sbarrier.arrive $0xFFFF  }
0x4a: {  	p0 =	sne.s32 s0, $0x0;
	_ =	strace $0x90000047  }
0x4b: {  	s0 =	sadd.s32 @!p0 $0x100000, s2;
	[bflag:$0x2] =	sbarrier.arrive $0xFFFF  }
0x4c: {  	[sflag:s0] =	ssyncadd.tile.s32 @!p0 $0x1;
	_ =	shalt  }
.Lfunc_end2:
_tile_overlayer_lowered:
.L_overlay_start_2:
0x4d: {  	(tag) =	ssettag $0x2  }
0x4e: {  	s0 =	rddreg [dreg:$0x0];
	s2 =	stileid.u32  }
0x4f: {  	s1 =	rddreg [dreg:$0x1];
	p0 =	sne.s32 s2, $0x0  }
0x50: {  	s3 =	rddreg [dreg:$0x2];
	[bflag:$0x3] =	sbarrier.arrive $0xFFFF;
	s2 =	simm.s32 @!p0 $0x1C01  }
0x51: {  	[timem:s3], [sflag:s2] =	dma.local @!p0 [hbm:s0], s1  }
0x52: {  	s0 =	simm.s32 @!p0 $0x1  }
0x53: {  	_ =	swait.ge @!p0 [sflag:s0], s1  }
0x54: {  	s1 =	ssub.s32 @!p0 $0x0, s1;
	[sflag:s0] =	ssyncset.done @!p0 $0x0  }
0x55: {  	[sflag:s0] =	ssyncadd.s32 @!p0 s1  }
0x56: {  	[bflag:$0x3] =	sbarrier.arrive $0xFFFF  }
0x57: {  	_ =	shalt  }

</sc_bundles>
